<compile_context>
chip_gen: v7x
topology: tpu7x:2x2x1
jax: 0.10.2.dev20260603
libtpu: 0.0.44.dev20260713+nightly
codegen_flags: <defaults>
</compile_context>

<pallas_src>
import jax
import jax.numpy as jnp
from jax.experimental import pallas as pl

TAU_CONVERGE = 8.0


def _snap_kernel(zp_ref, zc_ref, cb_ref, csq_ref, out_ref):
    zc = zc_ref[0]
    zp = zp_ref[0]
    cb = cb_ref[0]
    c_sq = csq_ref[0]
    diff = zc - zp
    vel = jnp.sqrt(jnp.sum(diff * diff, axis=0, keepdims=True))
    converged = vel < TAU_CONVERGE
    dots = jax.lax.dot_general(cb, zc, (((1,), (0,)), ((), ())),
                               preferred_element_type=jnp.float32)
    dists = c_sq - 2.0 * dots
    mn = jnp.min(dists, axis=0, keepdims=True)
    onehot = (dists == mn).astype(jnp.float32)
    cnt = jnp.sum(onehot, axis=0, keepdims=True)
    entries = jax.lax.dot_general(cb, onehot, (((0,), (0,)), ((), ())),
                                  preferred_element_type=jnp.float32)
    entries = entries / cnt
    out_ref[0] = jnp.where(converged, entries, zc)


@jax.jit
def kernel(z_prev, z_current, codebook):
    B, L, dim = z_current.shape
    H, M, d = codebook.shape
    N = B * L
    TL = 2048
    zp = z_prev.reshape(N, H, d).transpose(1, 2, 0)
    zc = z_current.reshape(N, H, d).transpose(1, 2, 0)
    c_sq = jnp.sum(codebook * codebook, axis=-1, keepdims=True)
    out = pl.pallas_call(
        _snap_kernel,
        grid=(H, N // TL),
        in_specs=[
            pl.BlockSpec((1, d, TL), lambda h, i: (h, 0, i)),
            pl.BlockSpec((1, d, TL), lambda h, i: (h, 0, i)),
            pl.BlockSpec((1, M, d), lambda h, i: (h, 0, 0)),
            pl.BlockSpec((1, M, 1), lambda h, i: (h, 0, 0)),
        ],
        out_specs=pl.BlockSpec((1, d, TL), lambda h, i: (h, 0, i)),
        out_shape=jax.ShapeDtypeStruct((H, d, N), jnp.float32),
    )(zp, zc, codebook, c_sq)
    return out.transpose(2, 0, 1).reshape(B, L, dim)

# --- scband reference (transcript-rebuilt; emitter-appended) ---
"""Pipeline reference for scband-crystallisation-manager-9113920602163 (READ-ONLY COPY).

The authoritative reference and input builder live on the scoring server;
editing this copy changes nothing except your own understanding.
"""

import jax, jax.numpy as jnp
import numpy as np

TAU_CONVERGE = 8.0


def setup_inputs(seed: int = 0) -> dict:
    key = jax.random.key(seed)
    k1, k2, k3 = jax.random.split(key, 3)
    B, L, H, d, M = 2, 4096, 32, 32, 512
    z_prev = jax.random.normal(k1, (B, L, H * d), dtype=jnp.float32)
    z_current = jax.random.normal(k2, (B, L, H * d), dtype=jnp.float32)
    codebook = jax.random.normal(k3, (H, M, d), dtype=jnp.float32)
    return {"z_prev": z_prev, "z_current": z_current, "codebook": codebook}


def reference(z_prev, z_current, codebook):
    # CrystallisationManager single segment step with n_stable=1:
    #  1) per-head velocity between previous and current segment states
    #  2) heads with velocity < tau_converge crystallise immediately
    #  3) newly crystallised heads are snapped (hard-quantised) to nearest
    #     codebook entry of their head and frozen
    #  4) enforce(): crystallised heads overwritten by frozen codebook values
    B, L, dim = z_current.shape
    H, M, d = codebook.shape
    z_h = z_current.reshape(B, L, H, d)
    prev_h = z_prev.reshape(B, L, H, d)
    velocity = jnp.linalg.norm(z_h - prev_h, axis=-1)            # [B, L, H]
    converged = velocity < TAU_CONVERGE                          # n_stable=1
    newly_crystallised = converged                               # crystallised starts all-False
    # hard quantisation per head: squared-distance argmin via dot products
    z_sq = jnp.sum(z_h * z_h, axis=-1, keepdims=True)            # [B, L, H, 1]
    c_sq = jnp.sum(codebook * codebook, axis=-1)                 # [H, M]
    dots = jnp.einsum('blhd,hmd->blhm', z_h, codebook)           # [B, L, H, M]
    dists = z_sq - 2.0 * dots + c_sq[None, None, :, :]           # [B, L, H, M]
    indices = jnp.argmin(dists, axis=-1)                         # [B, L, H] int
    h_idx = jnp.arange(H)[None, None, :]
    entries = codebook[h_idx, indices]                           # gather -> [B, L, H, d]
    frozen_values = jnp.where(newly_crystallised[..., None], entries,
                              jnp.zeros_like(entries))
    # enforce: crystallised heads replaced by frozen codebook values
    z_enforced = jnp.where(newly_crystallised[..., None], frozen_values, z_h)
    return z_enforced.reshape(B, L, dim)

if __name__ == "__main__":
    import jax
    _d = setup_inputs()
    print(jax.jit(kernel)(*tuple(_d.values())))

</pallas_src>

<mosaic_0001>
module attributes {stable_mosaic.version = 14 : i64} {
  func.func @_snap_kernel(%arg0: i32, %arg1: i32, %arg2: memref<1x32x2048xf32, #tpu.memory_space<vmem>>, %arg3: memref<1x32x2048xf32, #tpu.memory_space<vmem>>, %arg4: memref<1x512x32xf32, #tpu.memory_space<vmem>>, %arg5: memref<1x512x1xf32, #tpu.memory_space<vmem>>, %arg6: memref<1x32x2048xf32, #tpu.memory_space<vmem>>) attributes {dimension_semantics = [#tpu.dimension_semantics<arbitrary>, #tpu.dimension_semantics<arbitrary>], iteration_bounds = array<i64: 32, 4>, scalar_prefetch = 0 : i64, scratch_operands = 0 : i64, tpu.core_type = #tpu.core_type<tc>, window_params = [{transform_indices = @transform_0, window_bounds = array<i64: 1, 32, 2048>}, {transform_indices = @transform_1, window_bounds = array<i64: 1, 32, 2048>}, {transform_indices = @transform_2, window_bounds = array<i64: 1, 512, 32>}, {transform_indices = @transform_3, window_bounds = array<i64: 1, 512, 1>}, {transform_indices = @transform_4, window_bounds = array<i64: 1, 32, 2048>}]} {
    %get3A = arith.constant 0 : index
    %get3A_0 = arith.constant 0 : index
    %get3A_1 = arith.constant 0 : index
    %get3A_2 = vector.load %arg3[%get3A, %get3A_0, %get3A_1] : memref<1x32x2048xf32, #tpu.memory_space<vmem>>, vector<1x32x2048xf32>
    %get3A_3 = vector.shape_cast %get3A_2 : vector<1x32x2048xf32> to vector<32x2048xf32>
    %get3A_4 = arith.constant 0 : index
    %get3A_5 = arith.constant 0 : index
    %get3A_6 = arith.constant 0 : index
    %get3A_7 = vector.load %arg2[%get3A_4, %get3A_5, %get3A_6] : memref<1x32x2048xf32, #tpu.memory_space<vmem>>, vector<1x32x2048xf32>
    %get3A_8 = vector.shape_cast %get3A_7 : vector<1x32x2048xf32> to vector<32x2048xf32>
    %get3A_9 = arith.constant 0 : index
    %get3A_10 = arith.constant 0 : index
    %get3A_11 = arith.constant 0 : index
    %get3A_12 = vector.load %arg4[%get3A_9, %get3A_10, %get3A_11] : memref<1x512x32xf32, #tpu.memory_space<vmem>>, vector<1x512x32xf32>
    %get3A_13 = vector.shape_cast %get3A_12 : vector<1x512x32xf32> to vector<512x32xf32>
    %get3A_14 = arith.constant 0 : index
    %get3A_15 = arith.constant 0 : index
    %get3A_16 = arith.constant 0 : index
    %get3A_17 = vector.load %arg5[%get3A_14, %get3A_15, %get3A_16] : memref<1x512x1xf32, #tpu.memory_space<vmem>>, vector<1x512x1xf32>
    %get3A_18 = vector.shape_cast %get3A_17 : vector<1x512x1xf32> to vector<512x1xf32>
    %sub3A = arith.subf %get3A_3, %get3A_8 : vector<32x2048xf32>
    %mul3A = arith.mulf %sub3A, %sub3A : vector<32x2048xf32>
    %reduce_sum3A = arith.constant dense<0.000000e+00> : vector<2048xf32>
    %reduce_sum3A_19 = vector.multi_reduction <add>, %mul3A, %reduce_sum3A [0] : vector<32x2048xf32> to vector<2048xf32>
    %broadcast_in_dim3A = vector.shape_cast %reduce_sum3A_19 : vector<2048xf32> to vector<1x2048xf32>
    %sqrt3A = math.sqrt %broadcast_in_dim3A : vector<1x2048xf32>
    %lt3A = arith.constant 8.000000e+00 : f32
    %lt3A_20 = vector.broadcast %lt3A : f32 to vector<1x2048xf32>
    %lt3A_21 = arith.cmpf olt, %sqrt3A, %lt3A_20 : vector<1x2048xf32>
    %dot_general3A = arith.constant dense<0.000000e+00> : vector<512x2048xf32>
    %dot_general3A_22 = tpu.matmul %get3A_13, %get3A_3, %dot_general3A {dimension_numbers = #tpu.dot_dimension_numbers<[1], [0], [0], [1], [0, 0, 1, 1], [], []>, transpose_lhs_hint = false} : vector<512x32xf32>, vector<32x2048xf32>, vector<512x2048xf32> -> vector<512x2048xf32>
    %mul3A_23 = arith.constant 2.000000e+00 : f32
    %mul3A_24 = vector.broadcast %mul3A_23 : f32 to vector<512x2048xf32>
    %mul3A_25 = arith.mulf %mul3A_24, %dot_general3A_22 : vector<512x2048xf32>
    %sub3A_26 = vector.broadcast %get3A_18 : vector<512x1xf32> to vector<512x2048xf32>
    %sub3A_27 = arith.subf %sub3A_26, %mul3A_25 : vector<512x2048xf32>
    %reduce_min3A = arith.constant dense<0x7F800000> : vector<2048xf32>
    %reduce_min3A_28 = vector.multi_reduction <minimumf>, %sub3A_27, %reduce_min3A [0] : vector<512x2048xf32> to vector<2048xf32>
    %broadcast_in_dim3A_29 = vector.shape_cast %reduce_min3A_28 : vector<2048xf32> to vector<1x2048xf32>
    %eq3A = vector.broadcast %broadcast_in_dim3A_29 : vector<1x2048xf32> to vector<512x2048xf32>
    %eq3A_30 = arith.cmpf oeq, %sub3A_27, %eq3A : vector<512x2048xf32>
    %convert_element_type3A = arith.extui %eq3A_30 : vector<512x2048xi1> to vector<512x2048xi32>
    %convert_element_type3A_31 = arith.sitofp %convert_element_type3A : vector<512x2048xi32> to vector<512x2048xf32>
    %reduce_sum3A_32 = arith.constant dense<0.000000e+00> : vector<2048xf32>
    %reduce_sum3A_33 = vector.multi_reduction <add>, %convert_element_type3A_31, %reduce_sum3A_32 [0] : vector<512x2048xf32> to vector<2048xf32>
    %broadcast_in_dim3A_34 = vector.shape_cast %reduce_sum3A_33 : vector<2048xf32> to vector<1x2048xf32>
    %dot_general3A_35 = arith.constant dense<0.000000e+00> : vector<32x2048xf32>
    %dot_general3A_36 = tpu.matmul %get3A_13, %convert_element_type3A_31, %dot_general3A_35 {dimension_numbers = #tpu.dot_dimension_numbers<[0], [0], [1], [1], [0, 1, 1, 1], [], []>, transpose_lhs_hint = false} : vector<512x32xf32>, vector<512x2048xf32>, vector<32x2048xf32> -> vector<32x2048xf32>
    %div3A = vector.broadcast %broadcast_in_dim3A_34 : vector<1x2048xf32> to vector<32x2048xf32>
    %div3A_37 = arith.divf %dot_general3A_36, %div3A : vector<32x2048xf32>
    %broadcast_in_dim3A_38 = vector.shape_cast %lt3A_21 : vector<1x2048xi1> to vector<1x2048xi1>
    %broadcast_in_dim3A_39 = vector.broadcast %broadcast_in_dim3A_38 : vector<1x2048xi1> to vector<32x2048xi1>
    %select_n3A = arith.select %broadcast_in_dim3A_39, %div3A_37, %get3A_3 : vector<32x2048xi1>, vector<32x2048xf32>
    %swap3A = arith.constant 0 : index
    %swap3A_40 = arith.constant 0 : index
    %swap3A_41 = arith.constant 0 : index
    %swap3A_42 = vector.load %arg6[%swap3A, %swap3A_40, %swap3A_41] : memref<1x32x2048xf32, #tpu.memory_space<vmem>>, vector<1x32x2048xf32>
    %swap3A_43 = vector.shape_cast %swap3A_42 : vector<1x32x2048xf32> to vector<32x2048xf32>
    %swap3A_44 = vector.shape_cast %select_n3A : vector<32x2048xf32> to vector<1x32x2048xf32>
    tpu.vector_store %arg6[%swap3A, %swap3A_40, %swap3A_41], %swap3A_44 {strides = array<i32>} : memref<1x32x2048xf32, #tpu.memory_space<vmem>>, vector<1x32x2048xf32>,
    return
  }
  func.func @transform_0(%arg0: i32, %arg1: i32) -> (i32, i32, i32) {
    %c0_i32 = arith.constant 0 : i32
    %c0_i32_0 = arith.constant 0 : i32
    return %arg0, %c0_i32, %arg1 : i32, i32, i32
  }
  func.func @transform_1(%arg0: i32, %arg1: i32) -> (i32, i32, i32) {
    %c0_i32 = arith.constant 0 : i32
    %c0_i32_0 = arith.constant 0 : i32
    return %arg0, %c0_i32, %arg1 : i32, i32, i32
  }
  func.func @transform_2(%arg0: i32, %arg1: i32) -> (i32, i32, i32) {
    %c0_i32 = arith.constant 0 : i32
    %c0_i32_0 = arith.constant 0 : i32
    %c0_i32_1 = arith.constant 0 : i32
    return %arg0, %c0_i32, %c0_i32_0 : i32, i32, i32
  }
  func.func @transform_3(%arg0: i32, %arg1: i32) -> (i32, i32, i32) {
    %c0_i32 = arith.constant 0 : i32
    %c0_i32_0 = arith.constant 0 : i32
    %c0_i32_1 = arith.constant 0 : i32
    return %arg0, %c0_i32, %c0_i32_0 : i32, i32, i32
  }
  func.func @transform_4(%arg0: i32, %arg1: i32) -> (i32, i32, i32) {
    %c0_i32 = arith.constant 0 : i32
    %c0_i32_0 = arith.constant 0 : i32
    return %arg0, %c0_i32, %arg1 : i32, i32, i32
  }
}

</mosaic_0001>

<sc_bundles>
// kernel: sparse-core-data-format-call.cloned.1.call-start
scs
called_computation_lowered:
.L_overlay_start_0:
0x0: {  	s2 =	sld [smem:$0x3FD9]  }
0x1: {  	s3 =	sld [smem:$0x3FFE];
	_ =	sdelay $0x1  }
0x2: {  	s1 =	srdreg.scid  }
0x3: {  	s0 =	sand.u32 $0x1, s1  }
0x4: {  	s18 =	sshll.u32 s0, $0xA;
	s2 =	sadd.s32 s3, s2  }
0x5: {  	s2 =	sadd.s32 s2, s18  }
0x6: {  	[smem:$0x3FC5] =	sst s2  }
0x7: {  	_ = 	snop  }
0x8: {  	s2 =	sld [smem:$0x3FD0];
	(tm) =	ssettm $0x1  }
0x9: {  	s19 =	sld [smem:$0x3FFB];
	_ =	sdelay $0x3  }
0xa: {  	_ =	strace s19  }
0xb: {  	s3 =	sld [smem:$0x3FFC];
	_ =	sdelay $0x3  }
0xc: {  	_ =	strace s3  }
0xd: {  	s3 =	sld [smem:$0x3FFD];
	_ =	sdelay $0x3  }
0xe: {  	_ =	strace s3  }
0xf: {  	_ =	strace $0x8FFFFFFF  }
0x10: {  	s20 =	sld [smem:$0x3FDB];
	_ =	sdelay $0x1  }
0x11: {  	s4 =	simm.s32 $_scs_section_size  }
0x12: {  	s5 =	simm.s32 $_size__tile_overlayer_lowered;
	s6 =	simm.s32 $_tile_overlayer_lowered  }
0x13: {  	s23 =	simm.s32 $0x1BFF;
	s22 =	sshll.u32 s6, $0x1;
	s3 =	sadd.s32 s4, s20  }
0x14: {  	s7 =	simm.s32 $0x0;
	s21 =	sshll.u32 s5, $0x1;
	s5 =	sadd.s32 s22, s3  }
0x15: {  	[timem:s7], [sflag:s23] =	dma.local [hbm:s5], s21  }
0x16: {  	_ =	swait.ge [sflag:s23], s21  }
0x17: {  	s4 =	ssub.s32 $0x0, s21;
	[sflag:s23] =	ssyncset.done $0x0  }
0x18: {  	[sflag:s23] =	ssyncadd.s32 s4;
	_ =	sdelay $0x1  }
0x19: {  	s24 =	simm.s32 $0x1B8B  }
0x1a: {  	_ =	swait.ge [sflag:s24], $0x1  }
0x1b: {  	[sflag:s24] =	ssyncset.done $0x0  }
0x1c: {  	s26 =	simm.s32 $0x1B8E;
	s25 =	sld [smem:$0x3FFE];
	[sflag:s24] =	ssyncadd.s32 $0xFFFFFFFF  }
0x1d: {  	s27 =	simm.s32 $execute0_lowered;
	[smem:$0x3FD2] =	sst s26  }
0x1e: {  	s5 =	sshll.u32 s27, $0x1;
	_ =	strace $0x80000046;
	[dreg:$0x1] =	wrdreg $0xFFFFFFFF  }
0x1f: {  	s28 =	simm.s32 $_size_execute0_lowered;
	s3 =	sadd.s32 s3, s5;
	[dreg:$0x0] =	wrdreg $0x0  }
0x20: {  	s5 =	sshll.u32 s28, $0x1;
	[dreg:$0x2] =	wrdreg s3  }
0x21: {  	[dreg:$0x3] =	wrdreg s5  }
0x22: {  	[dreg:$0x4] =	wrdreg $0xC0  }
0x23: {  	_ =	task [dreg:s7], $0x5FFFF  }
0x24: {  	[dreg:$0x1] =	wrdreg $0xFFFFFFFF  }
0x25: {  	[dreg:$0x0] =	wrdreg $0x60  }
0x26: {  	[dreg:$0x2] =	wrdreg s25  }
0x27: {  	[dreg:$0x3] =	wrdreg s2  }
0x28: {  	[dreg:$0x4] =	wrdreg $0x9  }
0x29: {  	_ =	task.clear_ibuf [dreg:s7], $0x5FFFF;
	_ =	strace $0x90000046  }
0x2a: {  	s29 =	simm.s32 $0x9;
	_ =	strace $0x80000048  }
0x2b: {  	_ =	swait.ge [sflag:s29], $0x1  }
0x2c: {  	[sflag:s29] =	ssyncadd.s32 $0xFFFFFFFF  }
0x2d: {  	_ =	strace $0x90000048  }
0x2e: {  	_ =	sfence  }
0x2f: {  	s30 =	sld [smem:$0x0];
	_ =	sdelay $0x2  }
0x30: {  	s31 =	sshll.u32 s1, $0xD;
	s1 =	sshrl.u32 s1, $0x2  }
0x31: {  	s3 =	sand.u32 $0x4000, s31;
	s1 =	sadd.s32 s1, s30  }
0x32: {  	s0 =	sor.u32 s3, s0;
	s1 =	sshll.u32 s1, $0x11  }
0x33: {  	s0 =	sor.u32 s1, s0  }
0x34: {  	s0 =	sadd.s32 $0x8F2B, s0  }
0x35: {  	[sflag:s0] =	ssyncadd.remote.s32 $0x1  }
0x36: {  	_ =	sfence.sel $0xFFFF  }
0x37: {  	[dreg:$0x0] =	wrdreg $0xFFFFFFFF;
	(pc) =	sbr.abs _section_cstart, $3  }
0x38: {  	[dreg:$0x1] =	wrdreg $0xFFFFFFFF  }
0x39: {  	_ =	task.clear_ibuf [dreg:s7], $0x2FFFF;
	_ =	strace $0x9FFFFFFF  }
0x3a: {  	(tm) =	ssettm $0x7FFFFFFF  }
0x3b: {  	_ =	shalt  }
tec
execute0_lowered:
.L_overlay_start_1:
0x0: {  	(tag) =	ssettag $0x1  }
0x1: {  	s0 =	stileid.u32;
	s1 =	rddreg [dreg:$0x0]  }
0x2: {  	s3 =	rddreg [dreg:$0x1];
	s5 =	srdreg.scid;
	s31 =	simm.s32 $0x2  }
0x3: {  	s17 =	simm.s32 $0x0;
	s16 =	simm.s32 $0x0;
	s2 =	sshll.u32 s0, $0x7  }
0x4: {  	s15 =	simm.s32 $0x0;
	s14 =	simm.s32 $0x0;
	s2 =	sand.u32 $0x380, s2  }
0x5: {  	s4 =	sshrl.u32 s0, $0x3;
	s5 =	sshll.u32 s5, $0x7;
	s6 =	ssub.s32 $0x400, s2  }
0x6: {  	s5 =	sand.u32 $0x80, s5;
	s8 =	ssub.s32 $0x2, s4;
	s7 =	sand.u32 $0x380, s6  }
0x7: {  	s9 =	sshrl.u32 s8, $0x1;
	p0 =	sne.s32 s7, $0x0;
	s7 =	simm.s32 $0x1  }
0x8: {  	s8 =	sand.u32 $0x1, s8;
	s6 =	sshrl.u32 s6, $0xA;
	s7 =	simm.s32 @!p0 $0x0  }
0x9: {  	s10 =	ssub.s32 $0x1000, s5;
	s27 =	sadd.s32 s8, s9;
	s6 =	sadd.s32 s7, s6  }
0xa: {  	s12 =	smov.u32 s4;
	s28 =	sshrl.u32 s10, $0x7;
	s30 =	smul.u32 s27, s6  }
.Ltmp0:
0xb: {  	s29 =	sshrl.u32 s10, $0x8;
	s8 =	sand.u32 $0x1, s28;
	(pc) =	sbr.rel .LBB1_1-.Ltmp0, $4  }
0xc: {  	s11 =	smov.u32 s5;
	s8 =	sadd.s32 s29, s8;
	s7 =	simm.s32 $0x1  }
0xd: {  	s6 =	rddreg [dreg:$0x2];
	_ =	strace $0x80000047;
	s8 =	smul.u32 s8, s30  }
0xe: {  	s13 =	smov.u32 s2;
	s10 =	simm.s32 $0x2000;
	[sflag:s7] =	ssyncpa.u1 $0x0  }
0xf: {  	p0 =	por $0x0, $0x0;
	[sflag:s31] =	ssyncpa.u1 $0x0;
	s9 =	sadd.s32 $0x1, s8  }
.LBB1_4:
0x10: {  	v5 =	vld [tilespmem:s21+$0xFFFFFFD0];
	[tilespmem:s20+$0x2040 ss:$0x81] =	vst.msk $0xffff, v1  }
0x11: {  	v58 =	vld [tilespmem:s21+$0xFFFFFFE0];
	[tilespmem:s20+$0x2850 ss:$0x81] =	vst.msk $0xffff, v2  }
0x12: {  	s22 =	sshra.s32 s22, $0x2;
	v59 =	vld [tilespmem:s21+$0xFFFFFFF0];
	[tilespmem:s20+$0x3060 ss:$0x81] =	vst.msk $0xffff, v3  }
0x13: {  	v60 =	vld [tilespmem:s21+$0x0];
	[tilespmem:s20+$0x0 ss:$0x81] =	vst.msk $0xffff, v0;
	s19 =	sadd.s32 s22, s19  }
0x14: {  	v61 =	vld [tilespmem:s21+$0x10];
	[tilespmem:s19+$0x3870 ss:$0x81] =	vst.msk $0xffff, v4  }
0x15: {  	v62 =	vld [tilespmem:s21+$0x20];
	s26 =	sshll.u32 s17, $0xA;
	s27 =	sshll.u32 s15, $0x3;
	[tilespmem:s19+$0x810 ss:$0x81] =	vst.msk $0xffff, v5  }
0x16: {  	v63 =	vld [tilespmem:s21+$0xFFFFFFC0];
	s29 =	sshll.u32 s17, $0x7;
	s30 =	sand.u32 $0x78, s15;
	s16 =	sshll.u32 s16, $0x13;
	[tilespmem:s19+$0x1020 ss:$0x81] =	vst.msk $0xffff, v58  }
0x17: {  	s20 =	sand.u32 $0x3FE000, s26;
	s28 =	sand.u32 $0x3FFC00, s27;
	s17 =	sand.u32 $0x380, s29;
	[tilespmem:s19+$0x1830 ss:$0x81] =	vst.msk $0xffff, v59  }
0x18: {  	s31 =	sand.u32 $0x7, s15;
	s20 =	sadd.s32 s28, s20;
	s17 =	sor.u32 s30, s17;
	[tilespmem:s19+$0x2040 ss:$0x81] =	vst.msk $0xffff, v60  }
0x19: {  	s16 =	sadd.s32 s3, s16;
	s20 =	sshrl.u32 s20, $0x3;
	s17 =	sshrl.u32 s17, $0x3;
	[tilespmem:s19+$0x2850 ss:$0x81] =	vst.msk $0xffff, v61  }
0x1a: {  	s15 =	sshll.u32 s31, $0x12;
	s20 =	sand.u32 $0x7FF80, s20;
	s16 =	sadd.s32 s17, s16;
	[tilespmem:s19+$0x3060 ss:$0x81] =	vst.msk $0xffff, v62  }
0x1b: {  	s15 =	sor.u32 $0x400, s15;
	[tilespmem:s19+$0x0 ss:$0x81] =	vst.msk $0xffff, v63;
	s16 =	sadd.s32 s20, s16  }
0x1c: {  	[hbm4b:s16+s15] =	stream.strided.scatter [tilespmem:s18], [sflag:$0x2], $0x4000, s10, s15, $0x20;
	[tilespmem:$0x10100] =	vst v63  }
.LBB1_5:
0x1d: {  	s18 =	sadd.s32 $0x100, s11  }
0x1e: {  	s15 =	sadd.s32 $0x2, s12;
	s19 =	smov.u32 s12;
	p2 =	sgt.s32 s18, $0xFFF  }
0x1f: {  	s19 =	smov.u32 @p2 s15  }
0x20: {  	s21 =	smov.u32 s13;
	s15 =	sadd.s32 $0x400, s13;
	p3 =	sgt.s32 s19, $0x1  }
0x21: {  	s21 =	smov.u32 @p3 s15  }
0x22: {  	s18 =	smov.u32 @p2 s5;
	p2 =	sgt.s32 s21, $0x3FF  }
0x23: {  	p1 =	slt.u32 s14, $0x2;
	s21 =	smov.u32 @p2 s2;
	p2 =	sne.s32 s14, s9  }
.Ltmp1:
0x24: {  	s20 =	simm.s32 @!p1 $0x2;
	(pc) =	sbr.rel @!p2 .LBB1_6-.Ltmp1, $4  }
0x25: {  	s17 =	smov.u32 s11;
	s16 =	smov.u32 s12;
	_ =	swait.ge @!p1 [sflag:s20], $0x4000  }
0x26: {  	p0 =	por !p0, !p0;
	[sflag:s20] =	ssyncset.done @!p1 $0x0;
	s11 =	smov.u32 s18  }
0x27: {  	s19 =	smov.u32 @p3 s4;
	s15 =	smov.u32 s13;
	[sflag:s20] =	ssyncadd.s32 @!p1 $0xFFFFC000  }
0x28: {  	s12 =	smov.u32 s19;
	s14 =	sadd.s32 $0x1, s14;
	s13 =	smov.u32 s21  }
.LBB1_1:
0x29: {  	p1 =	sge.u32 s14, s8  }
0x2a: {  	s18 =	sshll.u32 @!p1 s12, $0x7  }
0x2b: {  	s19 =	sand.u32 @!p1 $0x78, s11;
	s20 =	sshll.u32 @!p1 s11, $0x1;
	s18 =	sand.u32 @!p1 $0x80, s18  }
0x2c: {  	s31 =	sadd.s32 $0xFFFFFFFF, s14;
	s20 =	sand.u32 @!p1 $0xF00, s20;
	s18 =	sor.u32 @!p1 s18, s19  }
0x2d: {  	s19 =	sshll.u32 @!p1 s13, $0xA;
	s18 =	sor.u32 @!p1 s20, s18;
	s20 =	sshrl.u32 @!p1 s11, $0x2  }
0x2e: {  	s21 =	sxor.u32 @!p1 $0xFFFFFFFF, s14;
	s19 =	sadd.s32 @!p1 s1, s19;
	s20 =	sand.u32 @!p1 $0x200, s20  }
0x2f: {  	s21 =	sshll.u32 @!p1 s21, $0xE;
	s19 =	sadd.s32 @!p1 s20, s19;
	s20 =	sand.u32 @!p1 $0x7, s11  }
0x30: {  	s21 =	sand.u32 @!p1 $0x4000, s21;
	s18 =	sshrl.u32 @!p1 s18, $0x3;
	s20 =	sshll.u32 @!p1 s20, $0x12  }
0x31: {  	s18 =	sadd.s32 @!p1 s18, s19;
	s19 =	sor.u32 @!p1 $0x80, s20;
	s20 =	simm.s32 @!p1 $0x2000  }
0x32: {  	[tilespmem:s21], [sflag:$0x1] =	stream.strided.gather @!p1 [hbm4b:s18+s19], $0x4000, s20, s19, $0x38;
	[tilespmem:$0x10100] =	vst v63  }
0x33: {  	p1 =	sge.u32 s31, s8  }
.Ltmp2:
0x34: {  	_ = 	snop;
	(pc) =	sbr.rel @p1 .LBB1_5-.Ltmp2, $1  }
0x35: {  	_ =	sdelay $0x3  }
0x36: {  	s18 =	simm.s32 $0x1  }
0x37: {  	_ =	swait.ge [sflag:s7], $0x4000;
	s18 =	simm.s32 @!p0 $0x0  }
0x38: {  	[sflag:s7] =	ssyncset.done $0x0;
	s19 =	sshll.u32 s18, $0xE  }
0x39: {  	[sflag:s7] =	ssyncadd.s32 $0xFFFFC000;
	s21 =	sor.u32 $0x40, s19  }
0x3a: {  	s18 =	smul.u32 $0x10200, s18;
	v0 =	vld [tilespmem:s21+$0x30]  }
0x3b: {  	v3 =	vld [tilespmem:s21+$0xFFFFFFD0]  }
0x3c: {  	s18 =	sshrl.u32 s18, $0x2;
	v4 =	vld [tilespmem:s21+$0xFFFFFFE0]  }
0x3d: {  	v5 =	vld [tilespmem:s21+$0xFFFFFFF0];
	s19 =	sor.u32 $0x8000, s18  }
0x3e: {  	s31 =	sand.u32 $0x1, s14;
	v1 =	vld [tilespmem:s21+$0x0];
	s20 =	sadd.s32 $0x0, s19  }
0x3f: {  	v2 =	vld [tilespmem:s21+$0x10];
	s18 =	smul.u32 $0x10200, s31;
	[tilespmem:s20+$0x3870 ss:$0x81] =	vst.msk $0xffff, v0  }
0x40: {  	[tilespmem:s20+$0x810 ss:$0x81] =	vst.msk $0xffff, v3;
	v3 =	vld [tilespmem:s21+$0x20]  }
0x41: {  	s18 =	sshrl.u32 s18, $0x2;
	v0 =	vld [tilespmem:s21+$0xFFFFFFC0];
	[tilespmem:s20+$0x1020 ss:$0x81] =	vst.msk $0xffff, v4;
	s21 =	sadd.s32 $0x80, s21  }
0x42: {  	s22 =	simm.s32 $0x4;
	s23 =	simm.s32 $0x8;
	s18 =	sor.u32 $0x8000, s18;
	[tilespmem:s20+$0x1830 ss:$0x81] =	vst.msk $0xffff, v5;
	v4 =	vld [tilespmem:s21+$0x30]  }
.LBB1_3:
0x43: {  	p1 =	sne.s32 s23, $0x1FC;
	v5 =	vld [tilespmem:s21+$0xFFFFFFD0];
	[tilespmem:s20+$0x2040 ss:$0x81] =	vst.msk $0xffff, v1  }
0x44: {  	v6 =	vld [tilespmem:s21+$0xFFFFFFE0];
	[tilespmem:s20+$0x2850 ss:$0x81] =	vst.msk $0xffff, v2  }
0x45: {  	s24 =	sshra.s32 s22, $0x2;
	s22 =	smov.u32 s23;
	v7 =	vld [tilespmem:s21+$0xFFFFFFF0];
	[tilespmem:s20+$0x3060 ss:$0x81] =	vst.msk $0xffff, v3  }
.Ltmp3:
0x46: {  	v1 =	vld [tilespmem:s21+$0x0];
	[tilespmem:s20+$0x0 ss:$0x81] =	vst.msk $0xffff, v0;
	s20 =	sadd.s32 s24, s19;
	(pc) =	sbr.rel @p1 .LBB1_3-.Ltmp3, $4  }
0x47: {  	v2 =	vld [tilespmem:s21+$0x10];
	[tilespmem:s20+$0x3870 ss:$0x81] =	vst.msk $0xffff, v4  }
0x48: {  	[tilespmem:s20+$0x810 ss:$0x81] =	vst.msk $0xffff, v5;
	v3 =	vld [tilespmem:s21+$0x20]  }
0x49: {  	v0 =	vld [tilespmem:s21+$0xFFFFFFC0];
	[tilespmem:s20+$0x1020 ss:$0x81] =	vst.msk $0xffff, v6;
	s21 =	sadd.s32 $0x80, s21  }
0x4a: {  	s23 =	sadd.s32 $0x4, s23;
	v4 =	vld [tilespmem:s21+$0x30];
	[tilespmem:s20+$0x1830 ss:$0x81] =	vst.msk $0xffff, v7  }
.Ltmp4:
0x4b: {  	_ = 	snop;
	(pc) =	sbr.rel .LBB1_4-.Ltmp4, $1  }
0x4c: {  	_ =	sdelay $0x3  }
.LBB1_6:
0x4d: {  	_ =	sfence.sel $0x180000  }
0x4e: {  	s1 =	simm.s32 $0x1;
	[bflag:$0x0] =	sbarrier.arrive $0xFFFF  }
0x4f: {  	s31 =	simm.s32 $0x2;
	[sflag:s1] =	ssyncpa.u1 $0x1  }
0x50: {  	[sflag:s31] =	ssyncpa.u1 $0x1  }
0x51: {  	p0 =	sne.s32 s0, $0x0;
	_ =	strace $0x90000047  }
0x52: {  	s0 =	sadd.s32 @!p0 $0x100000, s6;
	[bflag:$0x2] =	sbarrier.arrive $0xFFFF  }
0x53: {  	[sflag:s0] =	ssyncadd.tile.s32 @!p0 $0x1;
	_ =	shalt  }
.Lfunc_end1:
_tile_overlayer_lowered:
.L_overlay_start_2:
0x54: {  	(tag) =	ssettag $0x2  }
0x55: {  	s0 =	rddreg [dreg:$0x0];
	s2 =	stileid.u32  }
0x56: {  	s1 =	rddreg [dreg:$0x1];
	p0 =	sne.s32 s2, $0x0  }
0x57: {  	s3 =	rddreg [dreg:$0x2];
	[bflag:$0x3] =	sbarrier.arrive $0xFFFF;
	s2 =	simm.s32 @!p0 $0x1C01  }
0x58: {  	[timem:s3], [sflag:s2] =	dma.local @!p0 [hbm:s0], s1  }
0x59: {  	s0 =	simm.s32 @!p0 $0x1  }
0x5a: {  	_ =	swait.ge @!p0 [sflag:s0], s1  }
0x5b: {  	s1 =	ssub.s32 @!p0 $0x0, s1;
	[sflag:s0] =	ssyncset.done @!p0 $0x0  }
0x5c: {  	[sflag:s0] =	ssyncadd.s32 @!p0 s1  }
0x5d: {  	[bflag:$0x3] =	sbarrier.arrive $0xFFFF  }
0x5e: {  	_ =	shalt  }

</sc_bundles>
